<compile_context>
chip_gen: v7x
topology: tpu7x:2x2x1
jax: 0.10.2.dev20260603
libtpu: 0.0.44.dev20260713+nightly
codegen_flags: <defaults>
</compile_context>

<pallas_src>
import jax
import jax.numpy as jnp
from jax import lax
from jax.experimental import pallas as pl
from jax.experimental.pallas import tpu as pltpu
from jax.experimental.pallas import tpu_sc as plsc

N_NODES = 10000
D_FEAT = 256
HALF = D_FEAT // 2
NUM_SC = 2
NUM_TEC = 16
CHUNK = 128

ACC_ROWS = 10016
ZERO_ROWS = ACC_ROWS // NUM_TEC
OUT_ROWS = 624
TAIL_ROWS = N_NODES - NUM_TEC * OUT_ROWS


def _sc_kernel(n_chunks):
    def body(xs_hbm, idx_hbm, zer_hbm, out_hbm,
             idx_v, rows_v, acc, zsem, gsem):
        c = lax.axis_index("c")
        s = lax.axis_index("s")
        ci0 = (c * NUM_TEC + s) * n_chunks

        pltpu.async_copy(
            zer_hbm, acc.at[pl.ds(s * ZERO_ROWS, ZERO_ROWS)], zsem).wait()
        plsc.subcore_barrier()

        def chunk(g, carry):
            pltpu.sync_copy(idx_hbm.at[ci0 + g], idx_v)
            pltpu.async_copy(xs_hbm.at[idx_v.at[0]], rows_v, gsem).wait()
            pltpu.sync_copy(rows_v, acc.at[idx_v.at[1]], add=True)
            return carry

        lax.fori_loop(0, n_chunks, chunk, 0)
        plsc.subcore_barrier()

        pltpu.sync_copy(
            acc.at[pl.ds(s * OUT_ROWS, OUT_ROWS)],
            out_hbm.at[pl.ds(s * OUT_ROWS, OUT_ROWS), pl.ds(c * HALF, HALF)])

        @pl.when(s == NUM_TEC - 1)
        def _tail():
            r0 = NUM_TEC * OUT_ROWS
            pltpu.sync_copy(
                acc.at[pl.ds(r0, TAIL_ROWS)],
                out_hbm.at[pl.ds(r0, TAIL_ROWS), pl.ds(c * HALF, HALF)])

    mesh = plsc.VectorSubcoreMesh(core_axis_name="c", subcore_axis_name="s")
    return pl.kernel(
        body,
        out_type=jax.ShapeDtypeStruct((N_NODES, D_FEAT), jnp.float32),
        mesh=mesh,
        scratch_types=[
            pltpu.VMEM((2, CHUNK), jnp.int32),
            pltpu.VMEM((CHUNK, HALF), jnp.float32),
            pltpu.VMEM_SHARED((ACC_ROWS, HALF), jnp.float32),
            pltpu.SemaphoreType.DMA,
            pltpu.SemaphoreType.DMA,
        ],
    )


@jax.jit
def kernel(x, up_index, down_index):
    n_edges = up_index.shape[1] + down_index.shape[1]
    align = NUM_TEC * CHUNK
    e_pad = ((n_edges + align - 1) // align) * align
    n_chunks = e_pad // align
    pad = e_pad - n_edges

    src = jnp.concatenate(
        [up_index[0], down_index[0], jnp.zeros((pad,), up_index.dtype)]
    ).astype(jnp.int32)
    dst = jnp.concatenate(
        [up_index[1], down_index[1],
         jnp.full((pad,), N_NODES, up_index.dtype)]
    ).astype(jnp.int32)
    src_all = jnp.concatenate([src, src + N_NODES]).reshape(-1, 1, CHUNK)
    dst_all = jnp.concatenate([dst, dst]).reshape(-1, 1, CHUNK)
    idx_all = jnp.concatenate([src_all, dst_all], axis=1)
    xs = jnp.concatenate([x[:, :HALF], x[:, HALF:]], axis=0)
    zer = jnp.zeros((ZERO_ROWS, HALF), jnp.float32)

    return _sc_kernel(n_chunks)(xs, idx_all, zer)

# --- scband reference (transcript-rebuilt; emitter-appended) ---
"""Pipeline reference for scband-chain-message-passing-1194000908937 (READ-ONLY COPY).

The authoritative reference and input builder live on the scoring server;
editing this copy changes nothing except your own understanding.
"""

import jax, jax.numpy as jnp
import numpy as np

N_NODES = 10000
D_FEAT = 256
N_EDGES = 160000

def setup_inputs(seed: int = 0) -> dict:
    key = jax.random.key(seed)
    k1, k2, k3 = jax.random.split(key, 3)
    x = jax.random.normal(k1, (N_NODES, D_FEAT), dtype=jnp.float32)
    up_index = jax.random.randint(k2, (2, N_EDGES), 0, N_NODES, dtype=jnp.int64)
    down_index = jax.random.randint(k3, (2, N_EDGES), 0, N_NODES, dtype=jnp.int64)
    return {"x": x, "up_index": up_index, "down_index": down_index}

def reference(x, up_index, down_index):
    # ChainMessagePassing.propagate with flow='source_to_target' (i=1, j=0),
    # default message(x_j) = x_j, aggr_up='add', aggr_down='add', identity update.
    n = x.shape[0]
    # __lift__: gather source-node features along edges for each adjacency
    up_x_j = jnp.take(x, up_index[0], axis=0)      # x_j over up adjacency
    down_x_j = jnp.take(x, down_index[0], axis=0)  # x_j over down adjacency
    # aggregate: scatter-add into destination nodes (index = edge_index[i=1])
    up_out = jax.ops.segment_sum(up_x_j, up_index[1], num_segments=n)
    down_out = jax.ops.segment_sum(down_x_j, down_index[1], num_segments=n)
    # update: combine up and down aggregations
    return up_out + down_out

if __name__ == "__main__":
    import jax
    _d = setup_inputs()
    print(jax.jit(kernel)(*tuple(_d.values())))

</pallas_src>

<mosaic_0001>
#map = affine_map<(d0, d1) -> (0, 0)>
#map1 = affine_map<(d0, d1) -> (0, 0, 0)>
module attributes {stable_mosaic.version = 14 : i64} {
  func.func @body(%arg0: i32, %arg1: i32, %arg2: memref<20000x128xf32, #tpu.memory_space<hbm>>, %arg3: memref<5024x2x128xi32, #tpu.memory_space<hbm>>, %arg4: memref<626x128xf32, #tpu.memory_space<hbm>>, %arg5: memref<10000x256xf32, #tpu.memory_space<hbm>>, %arg6: memref<2x128xi32, #tpu.memory_space<vmem>>, %arg7: memref<128x128xf32, #tpu.memory_space<vmem>>, %arg8: memref<10016x128xf32, #tpu.memory_space<vmem_shared>>, %arg9: memref<!tpu.dma_semaphore, #tpu.memory_space<semaphore_mem>>, %arg10: memref<!tpu.dma_semaphore, #tpu.memory_space<semaphore_mem>>) attributes {dimension_semantics = [#tpu.dimension_semantics<core_parallel>, #tpu.dimension_semantics<subcore_parallel>], iteration_bounds = array<i64: 2, 16>, scalar_prefetch = 0 : i64, scratch_operands = 5 : i64, tpu.core_type = #tpu.core_type<sc_vector_subcore>, window_params = [{transform_indices = #map}, {transform_indices = #map1}, {transform_indices = #map}, {transform_indices = #map}]} {
    %mul3A = arith.constant 16 : i32
    %mul3A_0 = arith.muli %arg0, %mul3A : i32
    %add3A = arith.addi %mul3A_0, %arg1 : i32
    %mul3A_1 = arith.constant 157 : i32
    %mul3A_2 = arith.muli %add3A, %mul3A_1 : i32
    %mul3A_3 = arith.constant 626 : i32
    %mul3A_4 = arith.muli %arg1, %mul3A_3 : i32
    %dma_start3A = arith.constant 0 : i32
    %dma_start3A_5 = tpu.memref_slice %arg8[%mul3A_4, %dma_start3A] : memref<10016x128xf32, #tpu.memory_space<vmem_shared>> -> memref<626x128xf32, #tpu.memory_space<vmem_shared>>
    tpu.enqueue_dma source(%arg4 : memref<626x128xf32, #tpu.memory_space<hbm>>) target(%dma_start3A_5 : memref<626x128xf32, #tpu.memory_space<vmem_shared>>) target_semaphore(%arg9 : memref<!tpu.dma_semaphore, #tpu.memory_space<semaphore_mem>>)
    %dma_wait3A = arith.constant 0 : i32
    %dma_wait3A_6 = tpu.memref_slice %arg8[%mul3A_4, %dma_wait3A] : memref<10016x128xf32, #tpu.memory_space<vmem_shared>> -> memref<626x128xf32, #tpu.memory_space<vmem_shared>>
    tpu.wait_dma2 semaphore(%arg9 : memref<!tpu.dma_semaphore, #tpu.memory_space<semaphore_mem>>) src(%arg4 : memref<626x128xf32, #tpu.memory_space<hbm>>) dst(%dma_wait3A_6 : memref<626x128xf32, #tpu.memory_space<vmem_shared>>)
    %barrier3A = arith.constant 0 : index
    tpu.barrier barrier_id(%barrier3A)
    %scan3A = arith.constant 0 : i32
    %scan3A_7 = arith.constant 0 : i32
    %scan3A_8 = arith.constant 157 : i32
    %scan3A_9 = arith.addi %scan3A_7, %scan3A_8 : i32
    %scan3A_10 = arith.constant 1 : i32
    scf.for %scan3A_21 = %scan3A_7 to %scan3A_9 step %scan3A_10  : i32 {
      %add3A_22 = arith.addi %mul3A_2, %scan3A_21 : i32
      "tpu.region"() ({
        %run_scoped3A_37 = tpu.sem_alloc : memref<!tpu.dma_semaphore, #tpu.memory_space<semaphore_mem>>
        %dma_start3A_38 = arith.constant 0 : i32
        %dma_start3A_39 = arith.constant 0 : i32
        %dma_start3A_40 = tpu.memref_slice %arg3[%add3A_22, %dma_start3A_38, %dma_start3A_39] : memref<5024x2x128xi32, #tpu.memory_space<hbm>> -> memref<1x2x128xi32, #tpu.memory_space<hbm>>
        %dma_start3A_41 = tpu.memref_squeeze %dma_start3A_40 : memref<1x2x128xi32, #tpu.memory_space<hbm>> -> memref<2x128xi32, #tpu.memory_space<hbm>>
        %dma_start3A_42 = arith.constant 0 : i32
        %dma_start3A_43 = arith.constant 0 : i32
        %dma_start3A_44 = tpu.memref_slice %arg3[%add3A_22, %dma_start3A_42, %dma_start3A_43] : memref<5024x2x128xi32, #tpu.memory_space<hbm>> -> memref<1x2x128xi32, #tpu.memory_space<hbm>>
        %dma_start3A_45 = tpu.memref_squeeze %dma_start3A_44 : memref<1x2x128xi32, #tpu.memory_space<hbm>> -> memref<2x128xi32, #tpu.memory_space<hbm>>
        tpu.enqueue_dma source(%dma_start3A_45 : memref<2x128xi32, #tpu.memory_space<hbm>>) target(%arg6 : memref<2x128xi32, #tpu.memory_space<vmem>>) target_semaphore(%run_scoped3A_37 : memref<!tpu.dma_semaphore, #tpu.memory_space<semaphore_mem>>)
        %dma_wait3A_46 = arith.constant 0 : i32
        %dma_wait3A_47 = arith.constant 0 : i32
        %dma_wait3A_48 = tpu.memref_slice %arg3[%add3A_22, %dma_wait3A_46, %dma_wait3A_47] : memref<5024x2x128xi32, #tpu.memory_space<hbm>> -> memref<1x2x128xi32, #tpu.memory_space<hbm>>
        %dma_wait3A_49 = tpu.memref_squeeze %dma_wait3A_48 : memref<1x2x128xi32, #tpu.memory_space<hbm>> -> memref<2x128xi32, #tpu.memory_space<hbm>>
        %dma_wait3A_50 = arith.constant 0 : i32
        %dma_wait3A_51 = arith.constant 0 : i32
        %dma_wait3A_52 = tpu.memref_slice %arg3[%add3A_22, %dma_wait3A_50, %dma_wait3A_51] : memref<5024x2x128xi32, #tpu.memory_space<hbm>> -> memref<1x2x128xi32, #tpu.memory_space<hbm>>
        %dma_wait3A_53 = tpu.memref_squeeze %dma_wait3A_52 : memref<1x2x128xi32, #tpu.memory_space<hbm>> -> memref<2x128xi32, #tpu.memory_space<hbm>>
        tpu.wait_dma2 semaphore(%run_scoped3A_37 : memref<!tpu.dma_semaphore, #tpu.memory_space<semaphore_mem>>) src(%dma_wait3A_53 : memref<2x128xi32, #tpu.memory_space<hbm>>) dst(%arg6 : memref<2x128xi32, #tpu.memory_space<vmem>>)
        tpu.yield
      }) : () -> ()
      %dma_start3A_23 = arith.constant 0 : i32
      %dma_start3A_24 = arith.constant 0 : i32
      %dma_start3A_25 = tpu.memref_slice %arg6[%dma_start3A_23, %dma_start3A_24] : memref<2x128xi32, #tpu.memory_space<vmem>> -> memref<1x128xi32, #tpu.memory_space<vmem>>
      %dma_start3A_26 = tpu.memref_squeeze %dma_start3A_25 : memref<1x128xi32, #tpu.memory_space<vmem>> -> memref<128xi32, #tpu.memory_space<vmem>>
      %dma_start3A_27 = arith.constant 0 : i32
      %dma_start3A_28 = arith.constant 0 : i32
      %dma_start3A_29 = tpu.memref_slice %arg2[%dma_start3A_27, %dma_start3A_28] : memref<20000x128xf32, #tpu.memory_space<hbm>> -> memref<20000x128xf32, #tpu.memory_space<hbm>>
      tpu.enqueue_indirect_dma source(%dma_start3A_29 : memref<20000x128xf32, #tpu.memory_space<hbm>>) target(%arg7 : memref<128x128xf32, #tpu.memory_space<vmem>>) offsets(%dma_start3A_26 : memref<128xi32, #tpu.memory_space<vmem>>) semaphore(%arg10 : memref<!tpu.dma_semaphore, #tpu.memory_space<semaphore_mem>>)
      %dma_wait3A_30 = arith.constant 0 : i32
      %dma_wait3A_31 = arith.constant 0 : i32
      %dma_wait3A_32 = tpu.memref_slice %arg6[%dma_wait3A_30, %dma_wait3A_31] : memref<2x128xi32, #tpu.memory_space<vmem>> -> memref<1x128xi32, #tpu.memory_space<vmem>>
      %dma_wait3A_33 = tpu.memref_squeeze %dma_wait3A_32 : memref<1x128xi32, #tpu.memory_space<vmem>> -> memref<128xi32, #tpu.memory_space<vmem>>
      %dma_wait3A_34 = arith.constant 0 : i32
      %dma_wait3A_35 = arith.constant 0 : i32
      %dma_wait3A_36 = tpu.memref_slice %arg2[%dma_wait3A_34, %dma_wait3A_35] : memref<20000x128xf32, #tpu.memory_space<hbm>> -> memref<20000x128xf32, #tpu.memory_space<hbm>>
      tpu.wait_indirect_dma semaphore(%arg10 : memref<!tpu.dma_semaphore, #tpu.memory_space<semaphore_mem>>) src(%dma_wait3A_36 : memref<20000x128xf32, #tpu.memory_space<hbm>>) dst(%arg7 : memref<128x128xf32, #tpu.memory_space<vmem>>)
      %run_scoped3A = arith.constant 1 : i32
      "tpu.region"() ({
        %run_scoped3A_37 = tpu.sem_alloc : memref<!tpu.dma_semaphore, #tpu.memory_space<semaphore_mem>>
        %dma_start3A_38 = arith.constant 0 : i32
        %dma_start3A_39 = tpu.memref_slice %arg6[%run_scoped3A, %dma_start3A_38] : memref<2x128xi32, #tpu.memory_space<vmem>> -> memref<1x128xi32, #tpu.memory_space<vmem>>
        %dma_start3A_40 = tpu.memref_squeeze %dma_start3A_39 : memref<1x128xi32, #tpu.memory_space<vmem>> -> memref<128xi32, #tpu.memory_space<vmem>>
        %dma_start3A_41 = arith.constant 0 : i32
        %dma_start3A_42 = arith.constant 0 : i32
        %dma_start3A_43 = tpu.memref_slice %arg8[%dma_start3A_41, %dma_start3A_42] : memref<10016x128xf32, #tpu.memory_space<vmem_shared>> -> memref<10016x128xf32, #tpu.memory_space<vmem_shared>>
        tpu.enqueue_indirect_dma source(%arg7 : memref<128x128xf32, #tpu.memory_space<vmem>>) target(%dma_start3A_43 : memref<10016x128xf32, #tpu.memory_space<vmem_shared>>) offsets(%dma_start3A_40 : memref<128xi32, #tpu.memory_space<vmem>>) semaphore(%run_scoped3A_37 : memref<!tpu.dma_semaphore, #tpu.memory_space<semaphore_mem>>) {add = true}
        %dma_wait3A_44 = arith.constant 0 : i32
        %dma_wait3A_45 = tpu.memref_slice %arg6[%run_scoped3A, %dma_wait3A_44] : memref<2x128xi32, #tpu.memory_space<vmem>> -> memref<1x128xi32, #tpu.memory_space<vmem>>
        %dma_wait3A_46 = tpu.memref_squeeze %dma_wait3A_45 : memref<1x128xi32, #tpu.memory_space<vmem>> -> memref<128xi32, #tpu.memory_space<vmem>>
        %dma_wait3A_47 = arith.constant 0 : i32
        %dma_wait3A_48 = arith.constant 0 : i32
        %dma_wait3A_49 = tpu.memref_slice %arg8[%dma_wait3A_47, %dma_wait3A_48] : memref<10016x128xf32, #tpu.memory_space<vmem_shared>> -> memref<10016x128xf32, #tpu.memory_space<vmem_shared>>
        tpu.wait_indirect_dma semaphore(%run_scoped3A_37 : memref<!tpu.dma_semaphore, #tpu.memory_space<semaphore_mem>>) src(%arg7 : memref<128x128xf32, #tpu.memory_space<vmem>>) dst(%dma_wait3A_49 : memref<10016x128xf32, #tpu.memory_space<vmem_shared>>)
        tpu.yield
      }) : () -> ()
    }
    %scan3A_11 = arith.constant 157 : i32
    %barrier3A_12 = arith.constant 0 : index
    tpu.barrier barrier_id(%barrier3A_12)
    %mul3A_13 = arith.constant 624 : i32
    %mul3A_14 = arith.muli %arg1, %mul3A_13 : i32
    %mul3A_15 = arith.constant 624 : i32
    %mul3A_16 = arith.muli %arg1, %mul3A_15 : i32
    %mul3A_17 = arith.constant 128 : i32
    %mul3A_18 = arith.muli %arg0, %mul3A_17 : i32
    "tpu.region"() ({
      %run_scoped3A = tpu.sem_alloc : memref<!tpu.dma_semaphore, #tpu.memory_space<semaphore_mem>>
      %dma_start3A_21 = tpu.memref_slice %arg5[%mul3A_16, %mul3A_18] : memref<10000x256xf32, #tpu.memory_space<hbm>> -> memref<624x128xf32, #tpu.memory_space<hbm>>
      %dma_start3A_22 = arith.constant 0 : i32
      %dma_start3A_23 = tpu.memref_slice %arg8[%mul3A_14, %dma_start3A_22] : memref<10016x128xf32, #tpu.memory_space<vmem_shared>> -> memref<624x128xf32, #tpu.memory_space<vmem_shared>>
      tpu.enqueue_dma source(%dma_start3A_23 : memref<624x128xf32, #tpu.memory_space<vmem_shared>>) target(%dma_start3A_21 : memref<624x128xf32, #tpu.memory_space<hbm>>) target_semaphore(%run_scoped3A : memref<!tpu.dma_semaphore, #tpu.memory_space<semaphore_mem>>)
      %dma_wait3A_24 = tpu.memref_slice %arg5[%mul3A_16, %mul3A_18] : memref<10000x256xf32, #tpu.memory_space<hbm>> -> memref<624x128xf32, #tpu.memory_space<hbm>>
      %dma_wait3A_25 = arith.constant 0 : i32
      %dma_wait3A_26 = tpu.memref_slice %arg8[%mul3A_14, %dma_wait3A_25] : memref<10016x128xf32, #tpu.memory_space<vmem_shared>> -> memref<624x128xf32, #tpu.memory_space<vmem_shared>>
      tpu.wait_dma2 semaphore(%run_scoped3A : memref<!tpu.dma_semaphore, #tpu.memory_space<semaphore_mem>>) src(%dma_wait3A_26 : memref<624x128xf32, #tpu.memory_space<vmem_shared>>) dst(%dma_wait3A_24 : memref<624x128xf32, #tpu.memory_space<hbm>>)
      tpu.yield
    }) : () -> ()
    %eq3A = arith.constant 15 : i32
    %eq3A_19 = arith.cmpi eq, %arg1, %eq3A : i32
    %convert_element_type3A = arith.extui %eq3A_19 : i1 to i32
    %cond3A = arith.constant 0 : i32
    %cond3A_20 = arith.cmpi ne, %convert_element_type3A, %cond3A : i32
    scf.if %cond3A_20 {
      %mul3A_21 = arith.constant 128 : i32
      %mul3A_22 = arith.muli %arg0, %mul3A_21 : i32
      "tpu.region"() ({
        %run_scoped3A = tpu.sem_alloc : memref<!tpu.dma_semaphore, #tpu.memory_space<semaphore_mem>>
        %dma_start3A_23 = arith.constant 9984 : i32
        %dma_start3A_24 = tpu.memref_slice %arg5[%dma_start3A_23, %mul3A_22] : memref<10000x256xf32, #tpu.memory_space<hbm>> -> memref<16x128xf32, #tpu.memory_space<hbm>>
        %dma_start3A_25 = arith.constant 9984 : i32
        %dma_start3A_26 = arith.constant 0 : i32
        %dma_start3A_27 = tpu.memref_slice %arg8[%dma_start3A_25, %dma_start3A_26] : memref<10016x128xf32, #tpu.memory_space<vmem_shared>> -> memref<16x128xf32, #tpu.memory_space<vmem_shared>>
        tpu.enqueue_dma source(%dma_start3A_27 : memref<16x128xf32, #tpu.memory_space<vmem_shared>>) target(%dma_start3A_24 : memref<16x128xf32, #tpu.memory_space<hbm>>) target_semaphore(%run_scoped3A : memref<!tpu.dma_semaphore, #tpu.memory_space<semaphore_mem>>)
        %dma_wait3A_28 = arith.constant 9984 : i32
        %dma_wait3A_29 = tpu.memref_slice %arg5[%dma_wait3A_28, %mul3A_22] : memref<10000x256xf32, #tpu.memory_space<hbm>> -> memref<16x128xf32, #tpu.memory_space<hbm>>
        %dma_wait3A_30 = arith.constant 9984 : i32
        %dma_wait3A_31 = arith.constant 0 : i32
        %dma_wait3A_32 = tpu.memref_slice %arg8[%dma_wait3A_30, %dma_wait3A_31] : memref<10016x128xf32, #tpu.memory_space<vmem_shared>> -> memref<16x128xf32, #tpu.memory_space<vmem_shared>>
        tpu.wait_dma2 semaphore(%run_scoped3A : memref<!tpu.dma_semaphore, #tpu.memory_space<semaphore_mem>>) src(%dma_wait3A_32 : memref<16x128xf32, #tpu.memory_space<vmem_shared>>) dst(%dma_wait3A_29 : memref<16x128xf32, #tpu.memory_space<hbm>>)
        tpu.yield
      }) : () -> ()
    } else {
    }
    return
  }
}

</mosaic_0001>

<sc_bundles>
// kernel: kernel.3.cloned.1.call-start
scs
__scs_entry_jumppad:
0x0: {  	(pc) =	sbr.rel $0x88, $3  }
0x1: {  	(tag) =	ssettag $0x0;
	lr =	simm.s32 $0x1  }
0x2: {  	[smem:$0x3F9E] =	sst lr;
	_ =	strace $0xD0000000  }
0x3: {  	_ = 	snop  }
0x4: {  	_ = 	snop  }
0x5: {  	_ = 	snop  }
0x6: {  	_ = 	snop  }
0x7: {  	_ = 	snop  }
__scs_overlays_trampoline_lowered:
0x8: {  	[smem:$0x3FAD] =	sst s0  }
0x9: {  	[smem:$0x3FAE] =	sst s1  }
0xa: {  	[smem:$0x3FAF] =	sst s2  }
0xb: {  	[smem:$0x3FB0] =	sst s3  }
0xc: {  	[smem:$0x3FB1] =	sst s4  }
0xd: {  	[smem:$0x3FB2] =	sst s5  }
0xe: {  	[smem:$0x3FB3] =	sst s6  }
0xf: {  	[smem:$0x3FB4] =	sst s7  }
0x10: {  	[smem:$0x3FB5] =	sst s8  }
0x11: {  	[smem:$0x3FB6] =	sst s9;
	s0 =	simm.s32 @!p0 $0x0  }
0x12: {  	s1 =	sld [smem:$0x3F9C];
	s0 =	simm.s32 @p0 $0x1  }
0x13: {  	[smem:$0x3FB7] =	sst s0;
	s0 =	simm.s32 @!p1 $0x0  }
0x14: {  	s2 =	sld [smem:$0x3F9B];
	s0 =	simm.s32 @p1 $0x1  }
0x15: {  	[smem:$0x3FB8] =	sst s0;
	s0 =	simm.s32 @!p2 $0x0  }
0x16: {  	s3 =	sld [smem:$0x3FDB];
	s0 =	simm.s32 @p2 $0x1  }
0x17: {  	s4 =	simm.s32 $0x1BF5;
	[smem:$0x3FBA] =	sst s0  }
0x18: {  	s0 =	sld [smem:$0x3F9D];
	_ =	swait.ge [sflag:s4], $0x0  }
0x19: {  	s7 =	sld [smem:$0x3F9E]  }
0x1a: {  	s8 =	sadd.s32 $0xFFFFE003, lr  }
0x1b: {  	s9 =	sadd.s32 $0xFFFFFEF7, lr;
	s5 =	simm.s32 $0xFFFFFFFF;
	p2 =	slt.u32 s8, $0xFFFFF086  }
0x1c: {  	p1 =	slt.u32 s9, $0xF7A;
	s5 =	simm.s32 @!p2 $0x0  }
0x1d: {  	s5 =	simm.s32 @p1 $0x1;
	p0 =	seq.s32 s7, s2  }
0x1e: {  	s7 =	smul.u32 @!p0 $0xF7A, s2;
	p2 =	seq.s32 @!p0 s5, $0x0  }
0x1f: {  	s9 =	smul.u32 $0xF7A, s1;
	s8 =	simm.s32 @!p0 $0x1BF5;
	p2 =	por !p2, p0  }
0x20: {  	[sflag:s8] =	ssyncset.s32 @!p0 $0xFFFFF086;
	s6 =	sadd.s32 @!p0 s3, s7;
	s7 =	simm.s32 @!p0 $0x108  }
0x21: {  	s3 =	sadd.s32 s3, s9;
	s6 =	sadd.s32 @!p0 $0x88, s6;
	s7 =	simm.s32 @p2 $0x1082  }
0x22: {  	[simem:s7], [sflag:s8] =	dma.local @!p0 [hbm:s6], $0xF7A  }
0x23: {  	s9 =	sor.u32 $0xD0000000, s2;
	s6 =	simm.s32 $0x108;
	_ =	swait.ge @!p0 [sflag:s8], $0x0  }
0x24: {  	s3 =	sadd.s32 $0x88, s3;
	s6 =	simm.s32 @!p1 $0x1082;
	[sflag:s4] =	ssyncset.s32 $0xFFFFF086  }
0x25: {  	[simem:s6], [sflag:s4] =	dma.local [hbm:s3], $0xF7A  }
0x26: {  	[smem:$0x3F9E] =	sst s1;
	(tag) =	ssettag s2;
	_ =	strace s9  }
0x27: {  	s1 =	sld [smem:$0x3FAE]  }
0x28: {  	s2 =	sld [smem:$0x3FAF]  }
0x29: {  	s4 =	sld [smem:$0x3FB1]  }
0x2a: {  	p0 =	seq.s32 s5, $0x0;
	s5 =	sld [smem:$0x3FB2]  }
0x2b: {  	s6 =	sld [smem:$0x3FB3]  }
0x2c: {  	s7 =	sld [smem:$0x3FB4]  }
0x2d: {  	s3 =	simm.s32 $0x108;
	s8 =	sld [smem:$0x3FB5]  }
0x2e: {  	s3 =	simm.s32 @!p0 $0x1082;
	s9 =	sld [smem:$0x3FB6]  }
0x2f: {  	lr =	sadd.s32 s0, s3;
	s0 =	sld [smem:$0x3FAD]  }
0x30: {  	s3 =	sld [smem:$0x3FB0]  }
0x31: {  	[smem:$0x3FB9] =	sst s10  }
0x32: {  	s10 =	sld [smem:$0x3FB7];
	_ =	sdelay $0x3  }
0x33: {  	p0 =	seq.s32 s10, $0x1;
	s10 =	sld [smem:$0x3FB9];
	_ =	sdelay $0x3  }
0x34: {  	[smem:$0x3FB9] =	sst s10  }
0x35: {  	s10 =	sld [smem:$0x3FB8];
	_ =	sdelay $0x3  }
0x36: {  	p1 =	seq.s32 s10, $0x1;
	s10 =	sld [smem:$0x3FB9];
	_ =	sdelay $0x3  }
0x37: {  	[smem:$0x3FB9] =	sst s10  }
0x38: {  	s10 =	sld [smem:$0x3FBA]  }
0x39: {  	_ = 	snop;
	(pc) =	sbr.ind lr, $3  }
0x3a: {  	_ = 	snop  }
0x3b: {  	_ = 	snop  }
0x3c: {  	p2 =	seq.s32 s10, $0x1;
	s10 =	sld [smem:$0x3FB9]  }
0x3d: {  	_ =	shalt  }
0x3e: {  	_ =	shalt  }
0x3f: {  	_ =	shalt  }
0x40: {  	_ =	shalt  }
0x41: {  	_ =	shalt  }
0x42: {  	_ =	shalt  }
0x43: {  	_ =	shalt  }
0x44: {  	_ =	shalt  }
0x45: {  	_ =	shalt  }
0x46: {  	_ =	shalt  }
0x47: {  	_ =	shalt  }
0x48: {  	_ =	shalt  }
0x49: {  	_ =	shalt  }
0x4a: {  	_ =	shalt  }
0x4b: {  	_ =	shalt  }
0x4c: {  	_ =	shalt  }
0x4d: {  	_ =	shalt  }
0x4e: {  	_ =	shalt  }
0x4f: {  	_ =	shalt  }
0x50: {  	_ =	shalt  }
0x51: {  	_ =	shalt  }
0x52: {  	_ =	shalt  }
0x53: {  	_ =	shalt  }
0x54: {  	_ =	shalt  }
0x55: {  	_ =	shalt  }
0x56: {  	_ =	shalt  }
0x57: {  	_ =	shalt  }
0x58: {  	_ =	shalt  }
0x59: {  	_ =	shalt  }
0x5a: {  	_ =	shalt  }
0x5b: {  	_ =	shalt  }
0x5c: {  	_ =	shalt  }
0x5d: {  	_ =	shalt  }
0x5e: {  	_ =	shalt  }
0x5f: {  	_ =	shalt  }
0x60: {  	_ =	shalt  }
0x61: {  	_ =	shalt  }
0x62: {  	_ =	shalt  }
0x63: {  	_ =	shalt  }
0x64: {  	_ =	shalt  }
0x65: {  	_ =	shalt  }
0x66: {  	_ =	shalt  }
0x67: {  	_ =	shalt  }
0x68: {  	_ =	shalt  }
0x69: {  	_ =	shalt  }
0x6a: {  	_ =	shalt  }
0x6b: {  	_ =	shalt  }
0x6c: {  	_ =	shalt  }
0x6d: {  	_ =	shalt  }
0x6e: {  	_ =	shalt  }
0x6f: {  	_ =	shalt  }
0x70: {  	_ =	shalt  }
0x71: {  	_ =	shalt  }
0x72: {  	_ =	shalt  }
0x73: {  	_ =	shalt  }
0x74: {  	_ =	shalt  }
0x75: {  	_ =	shalt  }
0x76: {  	_ =	shalt  }
0x77: {  	_ =	shalt  }
0x78: {  	_ =	shalt  }
0x79: {  	_ =	shalt  }
0x7a: {  	_ =	shalt  }
0x7b: {  	_ =	shalt  }
0x7c: {  	_ =	shalt  }
0x7d: {  	_ =	shalt  }
0x7e: {  	_ =	shalt  }
0x7f: {  	_ =	shalt  }
0x80: {  	_ =	shalt  }
0x81: {  	_ =	shalt  }
0x82: {  	_ =	shalt  }
0x83: {  	_ =	shalt  }
0x84: {  	_ =	shalt  }
0x85: {  	_ =	shalt  }
0x86: {  	_ =	shalt  }
0x87: {  	_ =	shalt  }
.Lfunc_end0:
.L_simem_size_0:
called_computation_lowered:
.L_overlay_start_0:
0x88: {  	s2 =	sld [smem:$0x3FD9]  }
0x89: {  	s3 =	sld [smem:$0x3FFE];
	_ =	sdelay $0x1  }
0x8a: {  	s1 =	srdreg.scid  }
0x8b: {  	s0 =	sand.u32 $0x1, s1  }
0x8c: {  	s17 =	sshll.u32 s0, $0xA;
	s2 =	sadd.s32 s3, s2  }
0x8d: {  	s2 =	sadd.s32 s2, s17  }
0x8e: {  	[smem:$0x3FC5] =	sst s2  }
0x8f: {  	_ = 	snop  }
0x90: {  	s2 =	sld [smem:$0x3FD0];
	(tm) =	ssettm $0x1  }
0x91: {  	s18 =	sld [smem:$0x3FFB];
	_ =	sdelay $0x3  }
0x92: {  	_ =	strace s18  }
0x93: {  	s3 =	sld [smem:$0x3FFC];
	_ =	sdelay $0x3  }
0x94: {  	_ =	strace s3  }
0x95: {  	s3 =	sld [smem:$0x3FFD];
	_ =	sdelay $0x3  }
0x96: {  	_ =	strace s3  }
0x97: {  	_ =	strace $0x8FFFFFFF  }
0x98: {  	s19 =	sld [smem:$0x3FDB];
	_ =	sdelay $0x1  }
0x99: {  	s4 =	simm.s32 $_scs_section_size  }
0x9a: {  	s5 =	simm.s32 $_size__tile_overlayer_lowered;
	s6 =	simm.s32 $_tile_overlayer_lowered  }
0x9b: {  	s22 =	simm.s32 $0x1BFF;
	s21 =	sshll.u32 s6, $0x1;
	s3 =	sadd.s32 s4, s19  }
0x9c: {  	s7 =	simm.s32 $0x0;
	s20 =	sshll.u32 s5, $0x1;
	s5 =	sadd.s32 s21, s3  }
0x9d: {  	[timem:s7], [sflag:s22] =	dma.local [hbm:s5], s20  }
0x9e: {  	_ =	swait.ge [sflag:s22], s20  }
0x9f: {  	s4 =	ssub.s32 $0x0, s20;
	[sflag:s22] =	ssyncset.done $0x0  }
0xa0: {  	[sflag:s22] =	ssyncadd.s32 s4;
	_ =	sdelay $0x1  }
0xa1: {  	s23 =	simm.s32 $0x1B8B  }
0xa2: {  	_ =	swait.ge [sflag:s23], $0x1  }
0xa3: {  	[sflag:s23] =	ssyncset.done $0x0  }
0xa4: {  	s25 =	simm.s32 $0x1B8E;
	s24 =	sld [smem:$0x3FFE];
	[sflag:s23] =	ssyncadd.s32 $0xFFFFFFFF  }
0xa5: {  	s26 =	simm.s32 $execute0_lowered;
	[smem:$0x3FD2] =	sst s25  }
0xa6: {  	s5 =	sshll.u32 s26, $0x1;
	_ =	strace $0x80000046;
	[dreg:$0x1] =	wrdreg $0xFFFFFFFF  }
0xa7: {  	s28 =	simm.s32 $_size_execute0_lowered;
	s3 =	sadd.s32 s3, s5;
	[dreg:$0x0] =	wrdreg $0x0  }
0xa8: {  	s5 =	sshll.u32 s28, $0x1;
	[dreg:$0x2] =	wrdreg s3  }
0xa9: {  	[dreg:$0x3] =	wrdreg s5  }
0xaa: {  	[dreg:$0x4] =	wrdreg $0xC0  }
0xab: {  	_ =	task [dreg:s7], $0x5FFFF  }
0xac: {  	[dreg:$0x1] =	wrdreg $0xFFFFFFFF  }
0xad: {  	[dreg:$0x0] =	wrdreg $0x60  }
0xae: {  	[dreg:$0x2] =	wrdreg s24  }
0xaf: {  	[dreg:$0x3] =	wrdreg s2  }
0xb0: {  	[dreg:$0x4] =	wrdreg $0x41000  }
0xb1: {  	[dreg:$0x5] =	wrdreg $0x9  }
0xb2: {  	_ =	task.clear_ibuf [dreg:s7], $0x6FFFF;
	_ =	strace $0x90000046  }
0xb3: {  	s29 =	simm.s32 $0x9;
	_ =	strace $0x80000048  }
0xb4: {  	_ =	swait.ge [sflag:s29], $0x1  }
0xb5: {  	[sflag:s29] =	ssyncadd.s32 $0xFFFFFFFF  }
0xb6: {  	_ =	strace $0x90000048  }
0xb7: {  	_ =	sfence  }
0xb8: {  	s30 =	sld [smem:$0x0];
	_ =	sdelay $0x2  }
0xb9: {  	s31 =	sshll.u32 s1, $0xD;
	s1 =	sshrl.u32 s1, $0x2  }
0xba: {  	s3 =	sand.u32 $0x4000, s31;
	s1 =	sadd.s32 s1, s30  }
0xbb: {  	s0 =	sor.u32 s3, s0;
	s1 =	sshll.u32 s1, $0x11  }
0xbc: {  	s0 =	sor.u32 s1, s0  }
0xbd: {  	s0 =	sadd.s32 $0x8F2B, s0  }
0xbe: {  	[sflag:s0] =	ssyncadd.remote.s32 $0x1  }
0xbf: {  	_ =	sfence.sel $0xFFFF  }
0xc0: {  	[dreg:$0x0] =	wrdreg $0xFFFFFFFF;
	(pc) =	sbr.abs _section_cstart, $3  }
0xc1: {  	[dreg:$0x1] =	wrdreg $0xFFFFFFFF  }
0xc2: {  	_ =	task.clear_ibuf [dreg:s7], $0x2FFFF;
	_ =	strace $0x9FFFFFFF  }
0xc3: {  	(tm) =	ssettm $0x7FFFFFFF  }
tec
execute0_lowered:
.L_overlay_start_1:
0x0: {  	(tag) =	ssettag $0x1  }
0x1: {  	s8 =	rddreg [dreg:$0x0]  }
0x2: {  	s9 =	rddreg [dreg:$0x1]  }
0x3: {  	s1 =	rddreg [dreg:$0x2]  }
0x4: {  	s0 =	rddreg [dreg:$0x3]  }
0x5: {  	s3 =	simm.s32 $0x0;
	s4 =	srdreg.scid;
	s2 =	stileid.u32  }
0x6: {  	s15 =	simm.s32 $0x100;
	s16 =	simm.s32 $0x2;
	s19 =	simm.s32 $0x8  }
0x7: {  	s21 =	simm.s32 $0x0;
	[smem:$0x7FF] =	sst s3;
	s7 =	smul.u32 $0x4E400, s2  }
0x8: {  	s10 =	sand.u32 $0x1, s4;
	s4 =	sadd.s32 $0x27400, s8;
	s12 =	smul.u32 $0x4E000, s2  }
0x9: {  	s5 =	sadd.s32 $0x75600, s8;
	s28 =	smul.u32 $0x27000, s2;
	s17 =	sshll.u32 s2, $0x6  }
0xa: {  	s30 =	smul.u32 $0x13A0, s2;
	s20 =	sadd.s32 $0x138000, s1;
	p0 =	sne.s32 s2, $0xF  }
0xb: {  	_ =	strace $0x80000047;
	s6 =	ssub.s32 $0x2, s10;
	s14 =	sshll.u32 s10, $0xA  }
0xc: {  	s29 =	smul.u32 $0x13A00, s10;
	s10 =	sshll.u32 s10, $0x7;
	s20 =	sshrl.u32 @!p0 s20, $0x3  }
0xd: {  	s11 =	sshrl.u32 s6, $0x1;
	s26 =	sshrl.u32 s7, $0x2;
	s12 =	sshrl.u32 s12, $0x2  }
0xe: {  	s7 =	sor.u32 s14, s28;
	s14 =	simm.s32 $0x80;
	s11 =	ssub.s32 s6, s11  }
0xf: {  	s13 =	sadd.s32 s26, s1;
	s6 =	sor.u32 $0x1C01, s17;
	s18 =	sadd.s32 s12, s1  }
0x10: {  	s7 =	sshrl.u32 s7, $0x3;
	s31 =	sadd.s32 s29, s8;
	s12 =	simm.s32 $0x1  }
0x11: {  	s17 =	sor.u32 $0x1C03, s17;
	s7 =	sadd.s32 s9, s7;
	s9 =	sadd.s32 s10, s9  }
0x12: {  	s10 =	sadd.s32 s30, s31;
	s18 =	sshrl.u32 s18, $0x3;
	s8 =	sadd.s32 $0x4E000, s9  }
0x13: {  	s9 =	smax.u32 s11, $0x1;
	s11 =	sshrl.u32 s13, $0x3;
	s13 =	simm.s32 $0x3  }
.LBB2_1:
0x14: {  	[spmem:s11], [sflag:s6] =	dma.local [hbm:s5], $0x2720  }
0x15: {  	_ =	swait.ge [sflag:s12], $0x2720  }
0x16: {  	[sflag:s12] =	ssyncset.done $0x0  }
0x17: {  	[sflag:s12] =	ssyncadd.s32 $0xFFFFD8E0  }
0x18: {  	s22 =	sadd.s32 $0x0, s10;
	[bflag:$0x0] =	sbarrier.arrive $0xFFFF  }
0x19: {  	[tilespmem:s3], [sflag:$0x3] =	stream.linear.gather [hbm4b:s22+s3], $0x100, $0x38;
	[tilespmem:$0x17A00] =	vst v63  }
0x1a: {  	_ =	swait.ge [sflag:s13], $0x100  }
0x1b: {  	[sflag:s13] =	ssyncset.done $0x0  }
0x1c: {  	[sflag:s13] =	ssyncadd.s32 $0xFFFFFF00  }
0x1d: {  	[tilespmem:s15], [sflag:$0x2] =	stream.indirect.gather [hbm4b:s4+s14], $0x80, s3, s14, $0xb8;
	[tilespmem:$0x17A00] =	vst v63  }
0x1e: {  	_ =	swait.ge [sflag:s16], $0x4000  }
0x1f: {  	[sflag:s16] =	ssyncset.done $0x0  }
0x20: {  	[sflag:s16] =	ssyncadd.s32 $0xFFFFC000  }
0x21: {  	[spmem:s1] =	stream.indirect.scatter.add.f32 [tilespmem:s15], [sflag:$0x3], $0x80, s14, s14, $0xb8;
	[tilespmem:$0x17A00] =	vst v63  }
0x22: {  	_ =	swait.ge [sflag:s13], $0x4000  }
0x23: {  	s23 =	simm.s32 $0x40;
	s22 =	simm.s32 $0x20;
	[sflag:s13] =	ssyncset.done $0x0  }
.LBB2_2:
0x24: {  	s24 =	sadd.s32 s22, s10  }
0x25: {  	[sflag:s13] =	ssyncadd.s32 $0xFFFFC000;
	s22 =	smov.u32 s23;
	s25 =	sadd.s32 $0x20, s23  }
0x26: {  	[tilespmem:s3], [sflag:$0x3] =	stream.linear.gather [hbm4b:s24+s3], $0x100, $0x38;
	[tilespmem:$0x17A00] =	vst v63  }
0x27: {  	p1 =	sne.s32 s23, $0x1380;
	_ =	swait.ge [sflag:s13], $0x100  }
0x28: {  	[sflag:s13] =	ssyncset.done $0x0  }
0x29: {  	[sflag:s13] =	ssyncadd.s32 $0xFFFFFF00  }
0x2a: {  	[tilespmem:s15], [sflag:$0x2] =	stream.indirect.gather [hbm4b:s4+s14], $0x80, s3, s14, $0xb8;
	[tilespmem:$0x17A00] =	vst v63  }
0x2b: {  	_ =	swait.ge [sflag:s16], $0x4000  }
.Ltmp0:
0x2c: {  	[sflag:s16] =	ssyncset.done $0x0;
	(pc) =	sbr.rel @p1 .LBB2_2-.Ltmp0, $4  }
0x2d: {  	[sflag:s16] =	ssyncadd.s32 $0xFFFFC000  }
0x2e: {  	[spmem:s1] =	stream.indirect.scatter.add.f32 [tilespmem:s15], [sflag:$0x3], $0x80, s14, s14, $0xb8;
	[tilespmem:$0x17A00] =	vst v63  }
0x2f: {  	_ =	swait.ge [sflag:s13], $0x4000  }
0x30: {  	s23 =	smov.u32 s25;
	[sflag:s13] =	ssyncset.done $0x0  }
0x31: {  	s22 =	sadd.s32 s22, s10;
	[sflag:s13] =	ssyncadd.s32 $0xFFFFC000  }
0x32: {  	[tilespmem:s3], [sflag:$0x3] =	stream.linear.gather [hbm4b:s22+s3], $0x100, $0x38;
	[tilespmem:$0x17A00] =	vst v63  }
0x33: {  	_ =	swait.ge [sflag:s13], $0x100  }
0x34: {  	[sflag:s13] =	ssyncset.done $0x0  }
0x35: {  	[sflag:s13] =	ssyncadd.s32 $0xFFFFFF00  }
0x36: {  	[tilespmem:s15], [sflag:$0x2] =	stream.indirect.gather [hbm4b:s4+s14], $0x80, s3, s14, $0xb8;
	[tilespmem:$0x17A00] =	vst v63  }
0x37: {  	_ =	swait.ge [sflag:s16], $0x4000  }
0x38: {  	[sflag:s16] =	ssyncset.done $0x0  }
0x39: {  	[sflag:s16] =	ssyncadd.s32 $0xFFFFC000  }
0x3a: {  	[spmem:s1] =	stream.indirect.scatter.add.f32 [tilespmem:s15], [sflag:$0x3], $0x80, s14, s14, $0xb8;
	[tilespmem:$0x17A00] =	vst v63  }
0x3b: {  	_ =	swait.ge [sflag:s13], $0x4000  }
0x3c: {  	[sflag:s13] =	ssyncset.done $0x0  }
0x3d: {  	[sflag:s13] =	ssyncadd.s32 $0xFFFFC000  }
0x3e: {  	[bflag:$0x0] =	sbarrier.arrive $0xFFFF  }
0x3f: {  	[hbm:s7@s15], [sflag:s17] =	dma.strided [spmem:s18@s14], $0x2700, s19, $0x10   }
0x40: {  	s23 =	simm.s32 @!p0 $0x100;
	_ =	swait.ge [sflag:s13], $0x2700  }
0x41: {  	s24 =	simm.s32 @!p0 $0x80;
	s21 =	sadd.s32 $0x1, s21;
	[sflag:s13] =	ssyncset.done $0x0  }
0x42: {  	s22 =	simm.s32 @!p0 $0x8;
	p1 =	sne.s32 s21, s9;
	[sflag:s13] =	ssyncadd.s32 $0xFFFFD900  }
0x43: {  	[hbm:s8@s23], [sflag:s17] =	dma.strided @!p0 [spmem:s20@s24], $0x100, s22, $0x10   }
.Ltmp1:
0x44: {  	_ = 	snop;
	(pc) =	sbr.rel @p1 .LBB2_1-.Ltmp1, $4  }
0x45: {  	s22 =	simm.s32 @!p0 $0x3  }
0x46: {  	_ =	swait.ge @!p0 [sflag:s22], $0x100  }
0x47: {  	[sflag:s22] =	ssyncset.done @!p0 $0x0  }
0x48: {  	[sflag:s22] =	ssyncadd.s32 @!p0 $0xFFFFFF00  }
0x49: {  	_ =	sfence.sel $0x180000  }
0x4a: {  	[bflag:$0x0] =	sbarrier.arrive $0xFFFF  }
0x4b: {  	p0 =	sne.s32 s2, $0x0;
	_ =	strace $0x90000047  }
0x4c: {  	s0 =	sadd.s32 @!p0 $0x100000, s0;
	[bflag:$0x2] =	sbarrier.arrive $0xFFFF  }
0x4d: {  	[sflag:s0] =	ssyncadd.tile.s32 @!p0 $0x1;
	_ =	shalt  }
.Lfunc_end2:
_tile_overlayer_lowered:
.L_overlay_start_2:
0x4e: {  	(tag) =	ssettag $0x2  }
0x4f: {  	s0 =	rddreg [dreg:$0x0];
	s2 =	stileid.u32  }
0x50: {  	s1 =	rddreg [dreg:$0x1];
	p0 =	sne.s32 s2, $0x0  }
0x51: {  	s3 =	rddreg [dreg:$0x2];
	[bflag:$0x3] =	sbarrier.arrive $0xFFFF;
	s2 =	simm.s32 @!p0 $0x1C03  }
0x52: {  	[timem:s3], [sflag:s2] =	dma.local @!p0 [hbm:s0], s1  }
0x53: {  	s0 =	simm.s32 @!p0 $0x3  }
0x54: {  	_ =	swait.ge @!p0 [sflag:s0], s1  }
0x55: {  	s1 =	ssub.s32 @!p0 $0x0, s1;
	[sflag:s0] =	ssyncset.done @!p0 $0x0  }
0x56: {  	[sflag:s0] =	ssyncadd.s32 @!p0 s1  }
0x57: {  	[bflag:$0x3] =	sbarrier.arrive $0xFFFF  }
0x58: {  	_ =	shalt  }

</sc_bundles>
